<compile_context>
chip_gen: v7x
topology: tpu7x:2x2x1
jax: 0.10.2.dev20260603
libtpu: 0.0.44.dev20260713+nightly
codegen_flags: <defaults>
</compile_context>

<pallas_src>
import functools

import jax
import jax.numpy as jnp
from jax import lax
from jax.experimental import pallas as pl
from jax.experimental.pallas import tpu as pltpu
from jax.experimental.pallas import tpu_sc as plsc

B = 16
T = 4096
D = 1024


@functools.partial(
    pl.kernel,
    mesh=plsc.ScalarSubcoreMesh(axis_name="c", num_cores=1),
    out_type=jax.ShapeDtypeStruct((B, D), jnp.float32),
    scratch_types=[
        pltpu.SMEM((B,), jnp.int32),
        pltpu.SemaphoreType.DMA,
    ],
)
def _last_relevant_sc(flat_hbm, len_hbm, out_hbm, len_s, sem):
    pltpu.sync_copy(len_hbm, len_s)
    copies = []
    for b in range(B):
        idx = b * T + (len_s[b] - 1)
        copies.append(
            pltpu.async_copy(
                flat_hbm.at[pl.ds(idx, 1)], out_hbm.at[pl.ds(b, 1)], sem
            )
        )
    for c in copies:
        c.wait()


def kernel(outputs, tensor_len):
    flat = outputs.reshape(B * T, D)
    lens = tensor_len.reshape(-1).astype(jnp.int32)
    return _last_relevant_sc(flat, lens)

# --- scband reference (transcript-rebuilt; emitter-appended) ---
"""Pipeline reference for scband-last-relevant-61117384622907 (READ-ONLY COPY).

The authoritative reference and input builder live on the scoring server;
editing this copy changes nothing except your own understanding.
"""

import jax, jax.numpy as jnp
import numpy as np

B = 16
T = 4096
D = 1024

def setup_inputs(seed: int = 0) -> dict:
    key = jax.random.key(seed)
    k1, k2 = jax.random.split(key)
    outputs = jax.random.normal(k1, (B, T, D), dtype=jnp.float32)
    # sequence lengths in [1, T] so that (len - 1) is a valid timestep index
    tensor_len = jax.random.randint(k2, (B,), 1, T + 1, dtype=jnp.int64)
    return {"outputs": outputs, "tensor_len": tensor_len}

def reference(outputs, tensor_len):
    # LastRelevant: gather the hidden state at the last valid timestep of each sequence
    tensor_len = tensor_len.reshape(-1).astype(jnp.int32)  # Flatten(0) + cast to int32
    batch_size = outputs.shape[0]
    max_length = outputs.shape[1]
    out_size = outputs.shape[2]
    index = jnp.arange(0, batch_size, dtype=jnp.int32) * max_length + (tensor_len - 1)
    flat = outputs.reshape(-1, out_size)
    relevant = jnp.take(flat, index, axis=0)
    return relevant

if __name__ == "__main__":
    import jax
    _d = setup_inputs()
    print(jax.jit(kernel)(*tuple(_d.values())))

</pallas_src>

<mosaic_0001>
#map = affine_map<(d0) -> (0, 0)>
#map1 = affine_map<(d0) -> (0)>
module attributes {stable_mosaic.version = 14 : i64} {
  func.func @_last_relevant_sc(%arg0: i32, %arg1: memref<65536x1024xf32, #tpu.memory_space<hbm>>, %arg2: memref<16xi32, #tpu.memory_space<hbm>>, %arg3: memref<16x1024xf32, #tpu.memory_space<hbm>>, %arg4: memref<16xi32, #tpu.memory_space<smem>>, %arg5: memref<!tpu.dma_semaphore, #tpu.memory_space<semaphore_mem>>) attributes {dimension_semantics = [#tpu.dimension_semantics<core_parallel>], iteration_bounds = array<i64: 1>, scalar_prefetch = 0 : i64, scratch_operands = 2 : i64, tpu.core_type = #tpu.core_type<sc_scalar_subcore>, window_params = [{transform_indices = #map}, {transform_indices = #map1}, {transform_indices = #map}]} {
    "tpu.region"() ({
      %run_scoped3A = tpu.sem_alloc : memref<!tpu.dma_semaphore, #tpu.memory_space<semaphore_mem>>
      tpu.enqueue_dma source(%arg2 : memref<16xi32, #tpu.memory_space<hbm>>) target(%arg4 : memref<16xi32, #tpu.memory_space<smem>>) target_semaphore(%run_scoped3A : memref<!tpu.dma_semaphore, #tpu.memory_space<semaphore_mem>>)
      tpu.wait_dma2 semaphore(%run_scoped3A : memref<!tpu.dma_semaphore, #tpu.memory_space<semaphore_mem>>) src(%arg2 : memref<16xi32, #tpu.memory_space<hbm>>) dst(%arg4 : memref<16xi32, #tpu.memory_space<smem>>)
      tpu.yield
    }) : () -> ()
    %get3A = arith.constant 0 : i32
    %get3A_0 = arith.index_cast %get3A : i32 to index
    %get3A_1 = memref.load %arg4[%get3A_0] : memref<16xi32, #tpu.memory_space<smem>>
    %sub3A = arith.constant 1 : i32
    %sub3A_2 = arith.subi %get3A_1, %sub3A : i32
    %add3A = arith.constant 0 : i32
    %add3A_3 = arith.addi %add3A, %sub3A_2 : i32
    %dma_start3A = arith.constant 0 : i32
    %dma_start3A_4 = arith.constant 0 : i32
    %dma_start3A_5 = tpu.memref_slice %arg3[%dma_start3A, %dma_start3A_4] : memref<16x1024xf32, #tpu.memory_space<hbm>> -> memref<1x1024xf32, #tpu.memory_space<hbm>>
    %dma_start3A_6 = arith.constant 0 : i32
    %dma_start3A_7 = tpu.memref_slice %arg1[%add3A_3, %dma_start3A_6] : memref<65536x1024xf32, #tpu.memory_space<hbm>> -> memref<1x1024xf32, #tpu.memory_space<hbm>>
    tpu.enqueue_dma source(%dma_start3A_7 : memref<1x1024xf32, #tpu.memory_space<hbm>>) target(%dma_start3A_5 : memref<1x1024xf32, #tpu.memory_space<hbm>>) target_semaphore(%arg5 : memref<!tpu.dma_semaphore, #tpu.memory_space<semaphore_mem>>)
    %get3A_8 = arith.constant 1 : i32
    %get3A_9 = arith.index_cast %get3A_8 : i32 to index
    %get3A_10 = memref.load %arg4[%get3A_9] : memref<16xi32, #tpu.memory_space<smem>>
    %sub3A_11 = arith.constant 1 : i32
    %sub3A_12 = arith.subi %get3A_10, %sub3A_11 : i32
    %add3A_13 = arith.constant 4096 : i32
    %add3A_14 = arith.addi %add3A_13, %sub3A_12 : i32
    %dma_start3A_15 = arith.constant 1 : i32
    %dma_start3A_16 = arith.constant 0 : i32
    %dma_start3A_17 = tpu.memref_slice %arg3[%dma_start3A_15, %dma_start3A_16] : memref<16x1024xf32, #tpu.memory_space<hbm>> -> memref<1x1024xf32, #tpu.memory_space<hbm>>
    %dma_start3A_18 = arith.constant 0 : i32
    %dma_start3A_19 = tpu.memref_slice %arg1[%add3A_14, %dma_start3A_18] : memref<65536x1024xf32, #tpu.memory_space<hbm>> -> memref<1x1024xf32, #tpu.memory_space<hbm>>
    tpu.enqueue_dma source(%dma_start3A_19 : memref<1x1024xf32, #tpu.memory_space<hbm>>) target(%dma_start3A_17 : memref<1x1024xf32, #tpu.memory_space<hbm>>) target_semaphore(%arg5 : memref<!tpu.dma_semaphore, #tpu.memory_space<semaphore_mem>>)
    %get3A_20 = arith.constant 2 : i32
    %get3A_21 = arith.index_cast %get3A_20 : i32 to index
    %get3A_22 = memref.load %arg4[%get3A_21] : memref<16xi32, #tpu.memory_space<smem>>
    %sub3A_23 = arith.constant 1 : i32
    %sub3A_24 = arith.subi %get3A_22, %sub3A_23 : i32
    %add3A_25 = arith.constant 8192 : i32
    %add3A_26 = arith.addi %add3A_25, %sub3A_24 : i32
    %dma_start3A_27 = arith.constant 2 : i32
    %dma_start3A_28 = arith.constant 0 : i32
    %dma_start3A_29 = tpu.memref_slice %arg3[%dma_start3A_27, %dma_start3A_28] : memref<16x1024xf32, #tpu.memory_space<hbm>> -> memref<1x1024xf32, #tpu.memory_space<hbm>>
    %dma_start3A_30 = arith.constant 0 : i32
    %dma_start3A_31 = tpu.memref_slice %arg1[%add3A_26, %dma_start3A_30] : memref<65536x1024xf32, #tpu.memory_space<hbm>> -> memref<1x1024xf32, #tpu.memory_space<hbm>>
    tpu.enqueue_dma source(%dma_start3A_31 : memref<1x1024xf32, #tpu.memory_space<hbm>>) target(%dma_start3A_29 : memref<1x1024xf32, #tpu.memory_space<hbm>>) target_semaphore(%arg5 : memref<!tpu.dma_semaphore, #tpu.memory_space<semaphore_mem>>)
    %get3A_32 = arith.constant 3 : i32
    %get3A_33 = arith.index_cast %get3A_32 : i32 to index
    %get3A_34 = memref.load %arg4[%get3A_33] : memref<16xi32, #tpu.memory_space<smem>>
    %sub3A_35 = arith.constant 1 : i32
    %sub3A_36 = arith.subi %get3A_34, %sub3A_35 : i32
    %add3A_37 = arith.constant 12288 : i32
    %add3A_38 = arith.addi %add3A_37, %sub3A_36 : i32
    %dma_start3A_39 = arith.constant 3 : i32
    %dma_start3A_40 = arith.constant 0 : i32
    %dma_start3A_41 = tpu.memref_slice %arg3[%dma_start3A_39, %dma_start3A_40] : memref<16x1024xf32, #tpu.memory_space<hbm>> -> memref<1x1024xf32, #tpu.memory_space<hbm>>
    %dma_start3A_42 = arith.constant 0 : i32
    %dma_start3A_43 = tpu.memref_slice %arg1[%add3A_38, %dma_start3A_42] : memref<65536x1024xf32, #tpu.memory_space<hbm>> -> memref<1x1024xf32, #tpu.memory_space<hbm>>
    tpu.enqueue_dma source(%dma_start3A_43 : memref<1x1024xf32, #tpu.memory_space<hbm>>) target(%dma_start3A_41 : memref<1x1024xf32, #tpu.memory_space<hbm>>) target_semaphore(%arg5 : memref<!tpu.dma_semaphore, #tpu.memory_space<semaphore_mem>>)
    %get3A_44 = arith.constant 4 : i32
    %get3A_45 = arith.index_cast %get3A_44 : i32 to index
    %get3A_46 = memref.load %arg4[%get3A_45] : memref<16xi32, #tpu.memory_space<smem>>
    %sub3A_47 = arith.constant 1 : i32
    %sub3A_48 = arith.subi %get3A_46, %sub3A_47 : i32
    %add3A_49 = arith.constant 16384 : i32
    %add3A_50 = arith.addi %add3A_49, %sub3A_48 : i32
    %dma_start3A_51 = arith.constant 4 : i32
    %dma_start3A_52 = arith.constant 0 : i32
    %dma_start3A_53 = tpu.memref_slice %arg3[%dma_start3A_51, %dma_start3A_52] : memref<16x1024xf32, #tpu.memory_space<hbm>> -> memref<1x1024xf32, #tpu.memory_space<hbm>>
    %dma_start3A_54 = arith.constant 0 : i32
    %dma_start3A_55 = tpu.memref_slice %arg1[%add3A_50, %dma_start3A_54] : memref<65536x1024xf32, #tpu.memory_space<hbm>> -> memref<1x1024xf32, #tpu.memory_space<hbm>>
    tpu.enqueue_dma source(%dma_start3A_55 : memref<1x1024xf32, #tpu.memory_space<hbm>>) target(%dma_start3A_53 : memref<1x1024xf32, #tpu.memory_space<hbm>>) target_semaphore(%arg5 : memref<!tpu.dma_semaphore, #tpu.memory_space<semaphore_mem>>)
    %get3A_56 = arith.constant 5 : i32
    %get3A_57 = arith.index_cast %get3A_56 : i32 to index
    %get3A_58 = memref.load %arg4[%get3A_57] : memref<16xi32, #tpu.memory_space<smem>>
    %sub3A_59 = arith.constant 1 : i32
    %sub3A_60 = arith.subi %get3A_58, %sub3A_59 : i32
    %add3A_61 = arith.constant 20480 : i32
    %add3A_62 = arith.addi %add3A_61, %sub3A_60 : i32
    %dma_start3A_63 = arith.constant 5 : i32
    %dma_start3A_64 = arith.constant 0 : i32
    %dma_start3A_65 = tpu.memref_slice %arg3[%dma_start3A_63, %dma_start3A_64] : memref<16x1024xf32, #tpu.memory_space<hbm>> -> memref<1x1024xf32, #tpu.memory_space<hbm>>
    %dma_start3A_66 = arith.constant 0 : i32
    %dma_start3A_67 = tpu.memref_slice %arg1[%add3A_62, %dma_start3A_66] : memref<65536x1024xf32, #tpu.memory_space<hbm>> -> memref<1x1024xf32, #tpu.memory_space<hbm>>
    tpu.enqueue_dma source(%dma_start3A_67 : memref<1x1024xf32, #tpu.memory_space<hbm>>) target(%dma_start3A_65 : memref<1x1024xf32, #tpu.memory_space<hbm>>) target_semaphore(%arg5 : memref<!tpu.dma_semaphore, #tpu.memory_space<semaphore_mem>>)
    %get3A_68 = arith.constant 6 : i32
    %get3A_69 = arith.index_cast %get3A_68 : i32 to index
    %get3A_70 = memref.load %arg4[%get3A_69] : memref<16xi32, #tpu.memory_space<smem>>
    %sub3A_71 = arith.constant 1 : i32
    %sub3A_72 = arith.subi %get3A_70, %sub3A_71 : i32
    %add3A_73 = arith.constant 24576 : i32
    %add3A_74 = arith.addi %add3A_73, %sub3A_72 : i32
    %dma_start3A_75 = arith.constant 6 : i32
    %dma_start3A_76 = arith.constant 0 : i32
    %dma_start3A_77 = tpu.memref_slice %arg3[%dma_start3A_75, %dma_start3A_76] : memref<16x1024xf32, #tpu.memory_space<hbm>> -> memref<1x1024xf32, #tpu.memory_space<hbm>>
    %dma_start3A_78 = arith.constant 0 : i32
    %dma_start3A_79 = tpu.memref_slice %arg1[%add3A_74, %dma_start3A_78] : memref<65536x1024xf32, #tpu.memory_space<hbm>> -> memref<1x1024xf32, #tpu.memory_space<hbm>>
    tpu.enqueue_dma source(%dma_start3A_79 : memref<1x1024xf32, #tpu.memory_space<hbm>>) target(%dma_start3A_77 : memref<1x1024xf32, #tpu.memory_space<hbm>>) target_semaphore(%arg5 : memref<!tpu.dma_semaphore, #tpu.memory_space<semaphore_mem>>)
    %get3A_80 = arith.constant 7 : i32
    %get3A_81 = arith.index_cast %get3A_80 : i32 to index
    %get3A_82 = memref.load %arg4[%get3A_81] : memref<16xi32, #tpu.memory_space<smem>>
    %sub3A_83 = arith.constant 1 : i32
    %sub3A_84 = arith.subi %get3A_82, %sub3A_83 : i32
    %add3A_85 = arith.constant 28672 : i32
    %add3A_86 = arith.addi %add3A_85, %sub3A_84 : i32
    %dma_start3A_87 = arith.constant 7 : i32
    %dma_start3A_88 = arith.constant 0 : i32
    %dma_start3A_89 = tpu.memref_slice %arg3[%dma_start3A_87, %dma_start3A_88] : memref<16x1024xf32, #tpu.memory_space<hbm>> -> memref<1x1024xf32, #tpu.memory_space<hbm>>
    %dma_start3A_90 = arith.constant 0 : i32
    %dma_start3A_91 = tpu.memref_slice %arg1[%add3A_86, %dma_start3A_90] : memref<65536x1024xf32, #tpu.memory_space<hbm>> -> memref<1x1024xf32, #tpu.memory_space<hbm>>
    tpu.enqueue_dma source(%dma_start3A_91 : memref<1x1024xf32, #tpu.memory_space<hbm>>) target(%dma_start3A_89 : memref<1x1024xf32, #tpu.memory_space<hbm>>) target_semaphore(%arg5 : memref<!tpu.dma_semaphore, #tpu.memory_space<semaphore_mem>>)
    %get3A_92 = arith.constant 8 : i32
    %get3A_93 = arith.index_cast %get3A_92 : i32 to index
    %get3A_94 = memref.load %arg4[%get3A_93] : memref<16xi32, #tpu.memory_space<smem>>
    %sub3A_95 = arith.constant 1 : i32
    %sub3A_96 = arith.subi %get3A_94, %sub3A_95 : i32
    %add3A_97 = arith.constant 32768 : i32
    %add3A_98 = arith.addi %add3A_97, %sub3A_96 : i32
    %dma_start3A_99 = arith.constant 8 : i32
    %dma_start3A_100 = arith.constant 0 : i32
    %dma_start3A_101 = tpu.memref_slice %arg3[%dma_start3A_99, %dma_start3A_100] : memref<16x1024xf32, #tpu.memory_space<hbm>> -> memref<1x1024xf32, #tpu.memory_space<hbm>>
    %dma_start3A_102 = arith.constant 0 : i32
    %dma_start3A_103 = tpu.memref_slice %arg1[%add3A_98, %dma_start3A_102] : memref<65536x1024xf32, #tpu.memory_space<hbm>> -> memref<1x1024xf32, #tpu.memory_space<hbm>>
    tpu.enqueue_dma source(%dma_start3A_103 : memref<1x1024xf32, #tpu.memory_space<hbm>>) target(%dma_start3A_101 : memref<1x1024xf32, #tpu.memory_space<hbm>>) target_semaphore(%arg5 : memref<!tpu.dma_semaphore, #tpu.memory_space<semaphore_mem>>)
    %get3A_104 = arith.constant 9 : i32
    %get3A_105 = arith.index_cast %get3A_104 : i32 to index
    %get3A_106 = memref.load %arg4[%get3A_105] : memref<16xi32, #tpu.memory_space<smem>>
    %sub3A_107 = arith.constant 1 : i32
    %sub3A_108 = arith.subi %get3A_106, %sub3A_107 : i32
    %add3A_109 = arith.constant 36864 : i32
    %add3A_110 = arith.addi %add3A_109, %sub3A_108 : i32
    %dma_start3A_111 = arith.constant 9 : i32
    %dma_start3A_112 = arith.constant 0 : i32
    %dma_start3A_113 = tpu.memref_slice %arg3[%dma_start3A_111, %dma_start3A_112] : memref<16x1024xf32, #tpu.memory_space<hbm>> -> memref<1x1024xf32, #tpu.memory_space<hbm>>
    %dma_start3A_114 = arith.constant 0 : i32
    %dma_start3A_115 = tpu.memref_slice %arg1[%add3A_110, %dma_start3A_114] : memref<65536x1024xf32, #tpu.memory_space<hbm>> -> memref<1x1024xf32, #tpu.memory_space<hbm>>
    tpu.enqueue_dma source(%dma_start3A_115 : memref<1x1024xf32, #tpu.memory_space<hbm>>) target(%dma_start3A_113 : memref<1x1024xf32, #tpu.memory_space<hbm>>) target_semaphore(%arg5 : memref<!tpu.dma_semaphore, #tpu.memory_space<semaphore_mem>>)
    %get3A_116 = arith.constant 10 : i32
    %get3A_117 = arith.index_cast %get3A_116 : i32 to index
    %get3A_118 = memref.load %arg4[%get3A_117] : memref<16xi32, #tpu.memory_space<smem>>
    %sub3A_119 = arith.constant 1 : i32
    %sub3A_120 = arith.subi %get3A_118, %sub3A_119 : i32
    %add3A_121 = arith.constant 40960 : i32
    %add3A_122 = arith.addi %add3A_121, %sub3A_120 : i32
    %dma_start3A_123 = arith.constant 10 : i32
    %dma_start3A_124 = arith.constant 0 : i32
    %dma_start3A_125 = tpu.memref_slice %arg3[%dma_start3A_123, %dma_start3A_124] : memref<16x1024xf32, #tpu.memory_space<hbm>> -> memref<1x1024xf32, #tpu.memory_space<hbm>>
    %dma_start3A_126 = arith.constant 0 : i32
    %dma_start3A_127 = tpu.memref_slice %arg1[%add3A_122, %dma_start3A_126] : memref<65536x1024xf32, #tpu.memory_space<hbm>> -> memref<1x1024xf32, #tpu.memory_space<hbm>>
    tpu.enqueue_dma source(%dma_start3A_127 : memref<1x1024xf32, #tpu.memory_space<hbm>>) target(%dma_start3A_125 : memref<1x1024xf32, #tpu.memory_space<hbm>>) target_semaphore(%arg5 : memref<!tpu.dma_semaphore, #tpu.memory_space<semaphore_mem>>)
    %get3A_128 = arith.constant 11 : i32
    %get3A_129 = arith.index_cast %get3A_128 : i32 to index
    %get3A_130 = memref.load %arg4[%get3A_129] : memref<16xi32, #tpu.memory_space<smem>>
    %sub3A_131 = arith.constant 1 : i32
    %sub3A_132 = arith.subi %get3A_130, %sub3A_131 : i32
    %add3A_133 = arith.constant 45056 : i32
    %add3A_134 = arith.addi %add3A_133, %sub3A_132 : i32
    %dma_start3A_135 = arith.constant 11 : i32
    %dma_start3A_136 = arith.constant 0 : i32
    %dma_start3A_137 = tpu.memref_slice %arg3[%dma_start3A_135, %dma_start3A_136] : memref<16x1024xf32, #tpu.memory_space<hbm>> -> memref<1x1024xf32, #tpu.memory_space<hbm>>
    %dma_start3A_138 = arith.constant 0 : i32
    %dma_start3A_139 = tpu.memref_slice %arg1[%add3A_134, %dma_start3A_138] : memref<65536x1024xf32, #tpu.memory_space<hbm>> -> memref<1x1024xf32, #tpu.memory_space<hbm>>
    tpu.enqueue_dma source(%dma_start3A_139 : memref<1x1024xf32, #tpu.memory_space<hbm>>) target(%dma_start3A_137 : memref<1x1024xf32, #tpu.memory_space<hbm>>) target_semaphore(%arg5 : memref<!tpu.dma_semaphore, #tpu.memory_space<semaphore_mem>>)
    %get3A_140 = arith.constant 12 : i32
    %get3A_141 = arith.index_cast %get3A_140 : i32 to index
    %get3A_142 = memref.load %arg4[%get3A_141] : memref<16xi32, #tpu.memory_space<smem>>
    %sub3A_143 = arith.constant 1 : i32
    %sub3A_144 = arith.subi %get3A_142, %sub3A_143 : i32
    %add3A_145 = arith.constant 49152 : i32
    %add3A_146 = arith.addi %add3A_145, %sub3A_144 : i32
    %dma_start3A_147 = arith.constant 12 : i32
    %dma_start3A_148 = arith.constant 0 : i32
    %dma_start3A_149 = tpu.memref_slice %arg3[%dma_start3A_147, %dma_start3A_148] : memref<16x1024xf32, #tpu.memory_space<hbm>> -> memref<1x1024xf32, #tpu.memory_space<hbm>>
    %dma_start3A_150 = arith.constant 0 : i32
    %dma_start3A_151 = tpu.memref_slice %arg1[%add3A_146, %dma_start3A_150] : memref<65536x1024xf32, #tpu.memory_space<hbm>> -> memref<1x1024xf32, #tpu.memory_space<hbm>>
    tpu.enqueue_dma source(%dma_start3A_151 : memref<1x1024xf32, #tpu.memory_space<hbm>>) target(%dma_start3A_149 : memref<1x1024xf32, #tpu.memory_space<hbm>>) target_semaphore(%arg5 : memref<!tpu.dma_semaphore, #tpu.memory_space<semaphore_mem>>)
    %get3A_152 = arith.constant 13 : i32
    %get3A_153 = arith.index_cast %get3A_152 : i32 to index
    %get3A_154 = memref.load %arg4[%get3A_153] : memref<16xi32, #tpu.memory_space<smem>>
    %sub3A_155 = arith.constant 1 : i32
    %sub3A_156 = arith.subi %get3A_154, %sub3A_155 : i32
    %add3A_157 = arith.constant 53248 : i32
    %add3A_158 = arith.addi %add3A_157, %sub3A_156 : i32
    %dma_start3A_159 = arith.constant 13 : i32
    %dma_start3A_160 = arith.constant 0 : i32
    %dma_start3A_161 = tpu.memref_slice %arg3[%dma_start3A_159, %dma_start3A_160] : memref<16x1024xf32, #tpu.memory_space<hbm>> -> memref<1x1024xf32, #tpu.memory_space<hbm>>
    %dma_start3A_162 = arith.constant 0 : i32
    %dma_start3A_163 = tpu.memref_slice %arg1[%add3A_158, %dma_start3A_162] : memref<65536x1024xf32, #tpu.memory_space<hbm>> -> memref<1x1024xf32, #tpu.memory_space<hbm>>
    tpu.enqueue_dma source(%dma_start3A_163 : memref<1x1024xf32, #tpu.memory_space<hbm>>) target(%dma_start3A_161 : memref<1x1024xf32, #tpu.memory_space<hbm>>) target_semaphore(%arg5 : memref<!tpu.dma_semaphore, #tpu.memory_space<semaphore_mem>>)
    %get3A_164 = arith.constant 14 : i32
    %get3A_165 = arith.index_cast %get3A_164 : i32 to index
    %get3A_166 = memref.load %arg4[%get3A_165] : memref<16xi32, #tpu.memory_space<smem>>
    %sub3A_167 = arith.constant 1 : i32
    %sub3A_168 = arith.subi %get3A_166, %sub3A_167 : i32
    %add3A_169 = arith.constant 57344 : i32
    %add3A_170 = arith.addi %add3A_169, %sub3A_168 : i32
    %dma_start3A_171 = arith.constant 14 : i32
    %dma_start3A_172 = arith.constant 0 : i32
    %dma_start3A_173 = tpu.memref_slice %arg3[%dma_start3A_171, %dma_start3A_172] : memref<16x1024xf32, #tpu.memory_space<hbm>> -> memref<1x1024xf32, #tpu.memory_space<hbm>>
    %dma_start3A_174 = arith.constant 0 : i32
    %dma_start3A_175 = tpu.memref_slice %arg1[%add3A_170, %dma_start3A_174] : memref<65536x1024xf32, #tpu.memory_space<hbm>> -> memref<1x1024xf32, #tpu.memory_space<hbm>>
    tpu.enqueue_dma source(%dma_start3A_175 : memref<1x1024xf32, #tpu.memory_space<hbm>>) target(%dma_start3A_173 : memref<1x1024xf32, #tpu.memory_space<hbm>>) target_semaphore(%arg5 : memref<!tpu.dma_semaphore, #tpu.memory_space<semaphore_mem>>)
    %get3A_176 = arith.constant 15 : i32
    %get3A_177 = arith.index_cast %get3A_176 : i32 to index
    %get3A_178 = memref.load %arg4[%get3A_177] : memref<16xi32, #tpu.memory_space<smem>>
    %sub3A_179 = arith.constant 1 : i32
    %sub3A_180 = arith.subi %get3A_178, %sub3A_179 : i32
    %add3A_181 = arith.constant 61440 : i32
    %add3A_182 = arith.addi %add3A_181, %sub3A_180 : i32
    %dma_start3A_183 = arith.constant 15 : i32
    %dma_start3A_184 = arith.constant 0 : i32
    %dma_start3A_185 = tpu.memref_slice %arg3[%dma_start3A_183, %dma_start3A_184] : memref<16x1024xf32, #tpu.memory_space<hbm>> -> memref<1x1024xf32, #tpu.memory_space<hbm>>
    %dma_start3A_186 = arith.constant 0 : i32
    %dma_start3A_187 = tpu.memref_slice %arg1[%add3A_182, %dma_start3A_186] : memref<65536x1024xf32, #tpu.memory_space<hbm>> -> memref<1x1024xf32, #tpu.memory_space<hbm>>
    tpu.enqueue_dma source(%dma_start3A_187 : memref<1x1024xf32, #tpu.memory_space<hbm>>) target(%dma_start3A_185 : memref<1x1024xf32, #tpu.memory_space<hbm>>) target_semaphore(%arg5 : memref<!tpu.dma_semaphore, #tpu.memory_space<semaphore_mem>>)
    %dma_wait3A = arith.constant 0 : i32
    %dma_wait3A_188 = arith.constant 0 : i32
    %dma_wait3A_189 = tpu.memref_slice %arg3[%dma_wait3A, %dma_wait3A_188] : memref<16x1024xf32, #tpu.memory_space<hbm>> -> memref<1x1024xf32, #tpu.memory_space<hbm>>
    %dma_wait3A_190 = arith.constant 0 : i32
    %dma_wait3A_191 = tpu.memref_slice %arg1[%add3A_3, %dma_wait3A_190] : memref<65536x1024xf32, #tpu.memory_space<hbm>> -> memref<1x1024xf32, #tpu.memory_space<hbm>>
    tpu.wait_dma2 semaphore(%arg5 : memref<!tpu.dma_semaphore, #tpu.memory_space<semaphore_mem>>) src(%dma_wait3A_191 : memref<1x1024xf32, #tpu.memory_space<hbm>>) dst(%dma_wait3A_189 : memref<1x1024xf32, #tpu.memory_space<hbm>>)
    %dma_wait3A_192 = arith.constant 1 : i32
    %dma_wait3A_193 = arith.constant 0 : i32
    %dma_wait3A_194 = tpu.memref_slice %arg3[%dma_wait3A_192, %dma_wait3A_193] : memref<16x1024xf32, #tpu.memory_space<hbm>> -> memref<1x1024xf32, #tpu.memory_space<hbm>>
    %dma_wait3A_195 = arith.constant 0 : i32
    %dma_wait3A_196 = tpu.memref_slice %arg1[%add3A_14, %dma_wait3A_195] : memref<65536x1024xf32, #tpu.memory_space<hbm>> -> memref<1x1024xf32, #tpu.memory_space<hbm>>
    tpu.wait_dma2 semaphore(%arg5 : memref<!tpu.dma_semaphore, #tpu.memory_space<semaphore_mem>>) src(%dma_wait3A_196 : memref<1x1024xf32, #tpu.memory_space<hbm>>) dst(%dma_wait3A_194 : memref<1x1024xf32, #tpu.memory_space<hbm>>)
    %dma_wait3A_197 = arith.constant 2 : i32
    %dma_wait3A_198 = arith.constant 0 : i32
    %dma_wait3A_199 = tpu.memref_slice %arg3[%dma_wait3A_197, %dma_wait3A_198] : memref<16x1024xf32, #tpu.memory_space<hbm>> -> memref<1x1024xf32, #tpu.memory_space<hbm>>
    %dma_wait3A_200 = arith.constant 0 : i32
    %dma_wait3A_201 = tpu.memref_slice %arg1[%add3A_26, %dma_wait3A_200] : memref<65536x1024xf32, #tpu.memory_space<hbm>> -> memref<1x1024xf32, #tpu.memory_space<hbm>>
    tpu.wait_dma2 semaphore(%arg5 : memref<!tpu.dma_semaphore, #tpu.memory_space<semaphore_mem>>) src(%dma_wait3A_201 : memref<1x1024xf32, #tpu.memory_space<hbm>>) dst(%dma_wait3A_199 : memref<1x1024xf32, #tpu.memory_space<hbm>>)
    %dma_wait3A_202 = arith.constant 3 : i32
    %dma_wait3A_203 = arith.constant 0 : i32
    %dma_wait3A_204 = tpu.memref_slice %arg3[%dma_wait3A_202, %dma_wait3A_203] : memref<16x1024xf32, #tpu.memory_space<hbm>> -> memref<1x1024xf32, #tpu.memory_space<hbm>>
    %dma_wait3A_205 = arith.constant 0 : i32
    %dma_wait3A_206 = tpu.memref_slice %arg1[%add3A_38, %dma_wait3A_205] : memref<65536x1024xf32, #tpu.memory_space<hbm>> -> memref<1x1024xf32, #tpu.memory_space<hbm>>
    tpu.wait_dma2 semaphore(%arg5 : memref<!tpu.dma_semaphore, #tpu.memory_space<semaphore_mem>>) src(%dma_wait3A_206 : memref<1x1024xf32, #tpu.memory_space<hbm>>) dst(%dma_wait3A_204 : memref<1x1024xf32, #tpu.memory_space<hbm>>)
    %dma_wait3A_207 = arith.constant 4 : i32
    %dma_wait3A_208 = arith.constant 0 : i32
    %dma_wait3A_209 = tpu.memref_slice %arg3[%dma_wait3A_207, %dma_wait3A_208] : memref<16x1024xf32, #tpu.memory_space<hbm>> -> memref<1x1024xf32, #tpu.memory_space<hbm>>
    %dma_wait3A_210 = arith.constant 0 : i32
    %dma_wait3A_211 = tpu.memref_slice %arg1[%add3A_50, %dma_wait3A_210] : memref<65536x1024xf32, #tpu.memory_space<hbm>> -> memref<1x1024xf32, #tpu.memory_space<hbm>>
    tpu.wait_dma2 semaphore(%arg5 : memref<!tpu.dma_semaphore, #tpu.memory_space<semaphore_mem>>) src(%dma_wait3A_211 : memref<1x1024xf32, #tpu.memory_space<hbm>>) dst(%dma_wait3A_209 : memref<1x1024xf32, #tpu.memory_space<hbm>>)
    %dma_wait3A_212 = arith.constant 5 : i32
    %dma_wait3A_213 = arith.constant 0 : i32
    %dma_wait3A_214 = tpu.memref_slice %arg3[%dma_wait3A_212, %dma_wait3A_213] : memref<16x1024xf32, #tpu.memory_space<hbm>> -> memref<1x1024xf32, #tpu.memory_space<hbm>>
    %dma_wait3A_215 = arith.constant 0 : i32
    %dma_wait3A_216 = tpu.memref_slice %arg1[%add3A_62, %dma_wait3A_215] : memref<65536x1024xf32, #tpu.memory_space<hbm>> -> memref<1x1024xf32, #tpu.memory_space<hbm>>
    tpu.wait_dma2 semaphore(%arg5 : memref<!tpu.dma_semaphore, #tpu.memory_space<semaphore_mem>>) src(%dma_wait3A_216 : memref<1x1024xf32, #tpu.memory_space<hbm>>) dst(%dma_wait3A_214 : memref<1x1024xf32, #tpu.memory_space<hbm>>)
    %dma_wait3A_217 = arith.constant 6 : i32
    %dma_wait3A_218 = arith.constant 0 : i32
    %dma_wait3A_219 = tpu.memref_slice %arg3[%dma_wait3A_217, %dma_wait3A_218] : memref<16x1024xf32, #tpu.memory_space<hbm>> -> memref<1x1024xf32, #tpu.memory_space<hbm>>
    %dma_wait3A_220 = arith.constant 0 : i32
    %dma_wait3A_221 = tpu.memref_slice %arg1[%add3A_74, %dma_wait3A_220] : memref<65536x1024xf32, #tpu.memory_space<hbm>> -> memref<1x1024xf32, #tpu.memory_space<hbm>>
    tpu.wait_dma2 semaphore(%arg5 : memref<!tpu.dma_semaphore, #tpu.memory_space<semaphore_mem>>) src(%dma_wait3A_221 : memref<1x1024xf32, #tpu.memory_space<hbm>>) dst(%dma_wait3A_219 : memref<1x1024xf32, #tpu.memory_space<hbm>>)
    %dma_wait3A_222 = arith.constant 7 : i32
    %dma_wait3A_223 = arith.constant 0 : i32
    %dma_wait3A_224 = tpu.memref_slice %arg3[%dma_wait3A_222, %dma_wait3A_223] : memref<16x1024xf32, #tpu.memory_space<hbm>> -> memref<1x1024xf32, #tpu.memory_space<hbm>>
    %dma_wait3A_225 = arith.constant 0 : i32
    %dma_wait3A_226 = tpu.memref_slice %arg1[%add3A_86, %dma_wait3A_225] : memref<65536x1024xf32, #tpu.memory_space<hbm>> -> memref<1x1024xf32, #tpu.memory_space<hbm>>
    tpu.wait_dma2 semaphore(%arg5 : memref<!tpu.dma_semaphore, #tpu.memory_space<semaphore_mem>>) src(%dma_wait3A_226 : memref<1x1024xf32, #tpu.memory_space<hbm>>) dst(%dma_wait3A_224 : memref<1x1024xf32, #tpu.memory_space<hbm>>)
    %dma_wait3A_227 = arith.constant 8 : i32
    %dma_wait3A_228 = arith.constant 0 : i32
    %dma_wait3A_229 = tpu.memref_slice %arg3[%dma_wait3A_227, %dma_wait3A_228] : memref<16x1024xf32, #tpu.memory_space<hbm>> -> memref<1x1024xf32, #tpu.memory_space<hbm>>
    %dma_wait3A_230 = arith.constant 0 : i32
    %dma_wait3A_231 = tpu.memref_slice %arg1[%add3A_98, %dma_wait3A_230] : memref<65536x1024xf32, #tpu.memory_space<hbm>> -> memref<1x1024xf32, #tpu.memory_space<hbm>>
    tpu.wait_dma2 semaphore(%arg5 : memref<!tpu.dma_semaphore, #tpu.memory_space<semaphore_mem>>) src(%dma_wait3A_231 : memref<1x1024xf32, #tpu.memory_space<hbm>>) dst(%dma_wait3A_229 : memref<1x1024xf32, #tpu.memory_space<hbm>>)
    %dma_wait3A_232 = arith.constant 9 : i32
    %dma_wait3A_233 = arith.constant 0 : i32
    %dma_wait3A_234 = tpu.memref_slice %arg3[%dma_wait3A_232, %dma_wait3A_233] : memref<16x1024xf32, #tpu.memory_space<hbm>> -> memref<1x1024xf32, #tpu.memory_space<hbm>>
    %dma_wait3A_235 = arith.constant 0 : i32
    %dma_wait3A_236 = tpu.memref_slice %arg1[%add3A_110, %dma_wait3A_235] : memref<65536x1024xf32, #tpu.memory_space<hbm>> -> memref<1x1024xf32, #tpu.memory_space<hbm>>
    tpu.wait_dma2 semaphore(%arg5 : memref<!tpu.dma_semaphore, #tpu.memory_space<semaphore_mem>>) src(%dma_wait3A_236 : memref<1x1024xf32, #tpu.memory_space<hbm>>) dst(%dma_wait3A_234 : memref<1x1024xf32, #tpu.memory_space<hbm>>)
    %dma_wait3A_237 = arith.constant 10 : i32
    %dma_wait3A_238 = arith.constant 0 : i32
    %dma_wait3A_239 = tpu.memref_slice %arg3[%dma_wait3A_237, %dma_wait3A_238] : memref<16x1024xf32, #tpu.memory_space<hbm>> -> memref<1x1024xf32, #tpu.memory_space<hbm>>
    %dma_wait3A_240 = arith.constant 0 : i32
    %dma_wait3A_241 = tpu.memref_slice %arg1[%add3A_122, %dma_wait3A_240] : memref<65536x1024xf32, #tpu.memory_space<hbm>> -> memref<1x1024xf32, #tpu.memory_space<hbm>>
    tpu.wait_dma2 semaphore(%arg5 : memref<!tpu.dma_semaphore, #tpu.memory_space<semaphore_mem>>) src(%dma_wait3A_241 : memref<1x1024xf32, #tpu.memory_space<hbm>>) dst(%dma_wait3A_239 : memref<1x1024xf32, #tpu.memory_space<hbm>>)
    %dma_wait3A_242 = arith.constant 11 : i32
    %dma_wait3A_243 = arith.constant 0 : i32
    %dma_wait3A_244 = tpu.memref_slice %arg3[%dma_wait3A_242, %dma_wait3A_243] : memref<16x1024xf32, #tpu.memory_space<hbm>> -> memref<1x1024xf32, #tpu.memory_space<hbm>>
    %dma_wait3A_245 = arith.constant 0 : i32
    %dma_wait3A_246 = tpu.memref_slice %arg1[%add3A_134, %dma_wait3A_245] : memref<65536x1024xf32, #tpu.memory_space<hbm>> -> memref<1x1024xf32, #tpu.memory_space<hbm>>
    tpu.wait_dma2 semaphore(%arg5 : memref<!tpu.dma_semaphore, #tpu.memory_space<semaphore_mem>>) src(%dma_wait3A_246 : memref<1x1024xf32, #tpu.memory_space<hbm>>) dst(%dma_wait3A_244 : memref<1x1024xf32, #tpu.memory_space<hbm>>)
    %dma_wait3A_247 = arith.constant 12 : i32
    %dma_wait3A_248 = arith.constant 0 : i32
    %dma_wait3A_249 = tpu.memref_slice %arg3[%dma_wait3A_247, %dma_wait3A_248] : memref<16x1024xf32, #tpu.memory_space<hbm>> -> memref<1x1024xf32, #tpu.memory_space<hbm>>
    %dma_wait3A_250 = arith.constant 0 : i32
    %dma_wait3A_251 = tpu.memref_slice %arg1[%add3A_146, %dma_wait3A_250] : memref<65536x1024xf32, #tpu.memory_space<hbm>> -> memref<1x1024xf32, #tpu.memory_space<hbm>>
    tpu.wait_dma2 semaphore(%arg5 : memref<!tpu.dma_semaphore, #tpu.memory_space<semaphore_mem>>) src(%dma_wait3A_251 : memref<1x1024xf32, #tpu.memory_space<hbm>>) dst(%dma_wait3A_249 : memref<1x1024xf32, #tpu.memory_space<hbm>>)
    %dma_wait3A_252 = arith.constant 13 : i32
    %dma_wait3A_253 = arith.constant 0 : i32
    %dma_wait3A_254 = tpu.memref_slice %arg3[%dma_wait3A_252, %dma_wait3A_253] : memref<16x1024xf32, #tpu.memory_space<hbm>> -> memref<1x1024xf32, #tpu.memory_space<hbm>>
    %dma_wait3A_255 = arith.constant 0 : i32
    %dma_wait3A_256 = tpu.memref_slice %arg1[%add3A_158, %dma_wait3A_255] : memref<65536x1024xf32, #tpu.memory_space<hbm>> -> memref<1x1024xf32, #tpu.memory_space<hbm>>
    tpu.wait_dma2 semaphore(%arg5 : memref<!tpu.dma_semaphore, #tpu.memory_space<semaphore_mem>>) src(%dma_wait3A_256 : memref<1x1024xf32, #tpu.memory_space<hbm>>) dst(%dma_wait3A_254 : memref<1x1024xf32, #tpu.memory_space<hbm>>)
    %dma_wait3A_257 = arith.constant 14 : i32
    %dma_wait3A_258 = arith.constant 0 : i32
    %dma_wait3A_259 = tpu.memref_slice %arg3[%dma_wait3A_257, %dma_wait3A_258] : memref<16x1024xf32, #tpu.memory_space<hbm>> -> memref<1x1024xf32, #tpu.memory_space<hbm>>
    %dma_wait3A_260 = arith.constant 0 : i32
    %dma_wait3A_261 = tpu.memref_slice %arg1[%add3A_170, %dma_wait3A_260] : memref<65536x1024xf32, #tpu.memory_space<hbm>> -> memref<1x1024xf32, #tpu.memory_space<hbm>>
    tpu.wait_dma2 semaphore(%arg5 : memref<!tpu.dma_semaphore, #tpu.memory_space<semaphore_mem>>) src(%dma_wait3A_261 : memref<1x1024xf32, #tpu.memory_space<hbm>>) dst(%dma_wait3A_259 : memref<1x1024xf32, #tpu.memory_space<hbm>>)
    %dma_wait3A_262 = arith.constant 15 : i32
    %dma_wait3A_263 = arith.constant 0 : i32
    %dma_wait3A_264 = tpu.memref_slice %arg3[%dma_wait3A_262, %dma_wait3A_263] : memref<16x1024xf32, #tpu.memory_space<hbm>> -> memref<1x1024xf32, #tpu.memory_space<hbm>>
    %dma_wait3A_265 = arith.constant 0 : i32
    %dma_wait3A_266 = tpu.memref_slice %arg1[%add3A_182, %dma_wait3A_265] : memref<65536x1024xf32, #tpu.memory_space<hbm>> -> memref<1x1024xf32, #tpu.memory_space<hbm>>
    tpu.wait_dma2 semaphore(%arg5 : memref<!tpu.dma_semaphore, #tpu.memory_space<semaphore_mem>>) src(%dma_wait3A_266 : memref<1x1024xf32, #tpu.memory_space<hbm>>) dst(%dma_wait3A_264 : memref<1x1024xf32, #tpu.memory_space<hbm>>)
    return
  }
}

</mosaic_0001>

<sc_bundles>
// kernel: kernel.3.cloned.1.call-start
scs
__scs_entry_jumppad:
0x0: {  	(pc) =	sbr.rel $0x88, $3  }
0x1: {  	(tag) =	ssettag $0x0;
	lr =	simm.s32 $0x1  }
0x2: {  	[smem:$0x3F9F] =	sst lr;
	_ =	strace $0xD0000000  }
0x3: {  	_ = 	snop  }
0x4: {  	_ = 	snop  }
0x5: {  	_ = 	snop  }
0x6: {  	_ = 	snop  }
0x7: {  	_ = 	snop  }
__scs_overlays_trampoline_lowered:
0x8: {  	[smem:$0x3FAE] =	sst s0  }
0x9: {  	[smem:$0x3FAF] =	sst s1  }
0xa: {  	[smem:$0x3FB0] =	sst s2  }
0xb: {  	[smem:$0x3FB1] =	sst s3  }
0xc: {  	[smem:$0x3FB2] =	sst s4  }
0xd: {  	[smem:$0x3FB3] =	sst s5  }
0xe: {  	[smem:$0x3FB4] =	sst s6  }
0xf: {  	[smem:$0x3FB5] =	sst s7  }
0x10: {  	[smem:$0x3FB6] =	sst s8  }
0x11: {  	[smem:$0x3FB7] =	sst s9;
	s0 =	simm.s32 @!p0 $0x0  }
0x12: {  	s1 =	sld [smem:$0x3F9D];
	s0 =	simm.s32 @p0 $0x1  }
0x13: {  	[smem:$0x3FB8] =	sst s0;
	s0 =	simm.s32 @!p1 $0x0  }
0x14: {  	s2 =	sld [smem:$0x3F9C];
	s0 =	simm.s32 @p1 $0x1  }
0x15: {  	[smem:$0x3FB9] =	sst s0;
	s0 =	simm.s32 @!p2 $0x0  }
0x16: {  	s3 =	sld [smem:$0x3FDB];
	s0 =	simm.s32 @p2 $0x1  }
0x17: {  	s4 =	simm.s32 $0x1BF5;
	[smem:$0x3FBB] =	sst s0  }
0x18: {  	s0 =	sld [smem:$0x3F9E];
	_ =	swait.ge [sflag:s4], $0x0  }
0x19: {  	s7 =	sld [smem:$0x3F9F]  }
0x1a: {  	s8 =	sadd.s32 $0xFFFFE003, lr  }
0x1b: {  	s9 =	sadd.s32 $0xFFFFFEF7, lr;
	s5 =	simm.s32 $0xFFFFFFFF;
	p2 =	slt.u32 s8, $0xFFFFF086  }
0x1c: {  	p1 =	slt.u32 s9, $0xF7A;
	s5 =	simm.s32 @!p2 $0x0  }
0x1d: {  	s5 =	simm.s32 @p1 $0x1;
	p0 =	seq.s32 s7, s2  }
0x1e: {  	s7 =	smul.u32 @!p0 $0xF7A, s2;
	p2 =	seq.s32 @!p0 s5, $0x0  }
0x1f: {  	s9 =	smul.u32 $0xF7A, s1;
	s8 =	simm.s32 @!p0 $0x1BF5;
	p2 =	por !p2, p0  }
0x20: {  	[sflag:s8] =	ssyncset.s32 @!p0 $0xFFFFF086;
	s6 =	sadd.s32 @!p0 s3, s7;
	s7 =	simm.s32 @!p0 $0x108  }
0x21: {  	s3 =	sadd.s32 s3, s9;
	s6 =	sadd.s32 @!p0 $0x88, s6;
	s7 =	simm.s32 @p2 $0x1082  }
0x22: {  	[simem:s7], [sflag:s8] =	dma.local @!p0 [hbm:s6], $0xF7A  }
0x23: {  	s9 =	sor.u32 $0xD0000000, s2;
	s6 =	simm.s32 $0x108;
	_ =	swait.ge @!p0 [sflag:s8], $0x0  }
0x24: {  	s3 =	sadd.s32 $0x88, s3;
	s6 =	simm.s32 @!p1 $0x1082;
	[sflag:s4] =	ssyncset.s32 $0xFFFFF086  }
0x25: {  	[simem:s6], [sflag:s4] =	dma.local [hbm:s3], $0xF7A  }
0x26: {  	[smem:$0x3F9F] =	sst s1;
	(tag) =	ssettag s2;
	_ =	strace s9  }
0x27: {  	s1 =	sld [smem:$0x3FAF]  }
0x28: {  	s2 =	sld [smem:$0x3FB0]  }
0x29: {  	s4 =	sld [smem:$0x3FB2]  }
0x2a: {  	p0 =	seq.s32 s5, $0x0;
	s5 =	sld [smem:$0x3FB3]  }
0x2b: {  	s6 =	sld [smem:$0x3FB4]  }
0x2c: {  	s7 =	sld [smem:$0x3FB5]  }
0x2d: {  	s3 =	simm.s32 $0x108;
	s8 =	sld [smem:$0x3FB6]  }
0x2e: {  	s3 =	simm.s32 @!p0 $0x1082;
	s9 =	sld [smem:$0x3FB7]  }
0x2f: {  	lr =	sadd.s32 s0, s3;
	s0 =	sld [smem:$0x3FAE]  }
0x30: {  	s3 =	sld [smem:$0x3FB1]  }
0x31: {  	[smem:$0x3FBA] =	sst s10  }
0x32: {  	s10 =	sld [smem:$0x3FB8];
	_ =	sdelay $0x3  }
0x33: {  	p0 =	seq.s32 s10, $0x1;
	s10 =	sld [smem:$0x3FBA];
	_ =	sdelay $0x3  }
0x34: {  	[smem:$0x3FBA] =	sst s10  }
0x35: {  	s10 =	sld [smem:$0x3FB9];
	_ =	sdelay $0x3  }
0x36: {  	p1 =	seq.s32 s10, $0x1;
	s10 =	sld [smem:$0x3FBA];
	_ =	sdelay $0x3  }
0x37: {  	[smem:$0x3FBA] =	sst s10  }
0x38: {  	s10 =	sld [smem:$0x3FBB]  }
0x39: {  	_ = 	snop;
	(pc) =	sbr.ind lr, $3  }
0x3a: {  	_ = 	snop  }
0x3b: {  	_ = 	snop  }
0x3c: {  	p2 =	seq.s32 s10, $0x1;
	s10 =	sld [smem:$0x3FBA]  }
0x3d: {  	_ =	shalt  }
0x3e: {  	_ =	shalt  }
0x3f: {  	_ =	shalt  }
0x40: {  	_ =	shalt  }
0x41: {  	_ =	shalt  }
0x42: {  	_ =	shalt  }
0x43: {  	_ =	shalt  }
0x44: {  	_ =	shalt  }
0x45: {  	_ =	shalt  }
0x46: {  	_ =	shalt  }
0x47: {  	_ =	shalt  }
0x48: {  	_ =	shalt  }
0x49: {  	_ =	shalt  }
0x4a: {  	_ =	shalt  }
0x4b: {  	_ =	shalt  }
0x4c: {  	_ =	shalt  }
0x4d: {  	_ =	shalt  }
0x4e: {  	_ =	shalt  }
0x4f: {  	_ =	shalt  }
0x50: {  	_ =	shalt  }
0x51: {  	_ =	shalt  }
0x52: {  	_ =	shalt  }
0x53: {  	_ =	shalt  }
0x54: {  	_ =	shalt  }
0x55: {  	_ =	shalt  }
0x56: {  	_ =	shalt  }
0x57: {  	_ =	shalt  }
0x58: {  	_ =	shalt  }
0x59: {  	_ =	shalt  }
0x5a: {  	_ =	shalt  }
0x5b: {  	_ =	shalt  }
0x5c: {  	_ =	shalt  }
0x5d: {  	_ =	shalt  }
0x5e: {  	_ =	shalt  }
0x5f: {  	_ =	shalt  }
0x60: {  	_ =	shalt  }
0x61: {  	_ =	shalt  }
0x62: {  	_ =	shalt  }
0x63: {  	_ =	shalt  }
0x64: {  	_ =	shalt  }
0x65: {  	_ =	shalt  }
0x66: {  	_ =	shalt  }
0x67: {  	_ =	shalt  }
0x68: {  	_ =	shalt  }
0x69: {  	_ =	shalt  }
0x6a: {  	_ =	shalt  }
0x6b: {  	_ =	shalt  }
0x6c: {  	_ =	shalt  }
0x6d: {  	_ =	shalt  }
0x6e: {  	_ =	shalt  }
0x6f: {  	_ =	shalt  }
0x70: {  	_ =	shalt  }
0x71: {  	_ =	shalt  }
0x72: {  	_ =	shalt  }
0x73: {  	_ =	shalt  }
0x74: {  	_ =	shalt  }
0x75: {  	_ =	shalt  }
0x76: {  	_ =	shalt  }
0x77: {  	_ =	shalt  }
0x78: {  	_ =	shalt  }
0x79: {  	_ =	shalt  }
0x7a: {  	_ =	shalt  }
0x7b: {  	_ =	shalt  }
0x7c: {  	_ =	shalt  }
0x7d: {  	_ =	shalt  }
0x7e: {  	_ =	shalt  }
0x7f: {  	_ =	shalt  }
0x80: {  	_ =	shalt  }
0x81: {  	_ =	shalt  }
0x82: {  	_ =	shalt  }
0x83: {  	_ =	shalt  }
0x84: {  	_ =	shalt  }
0x85: {  	_ =	shalt  }
0x86: {  	_ =	shalt  }
0x87: {  	_ =	shalt  }
.Lfunc_end0:
.L_simem_size_0:
called_computation_lowered:
.L_overlay_start_0:
0x88: {  	s0 =	sld [smem:$0x3FD9]  }
0x89: {  	s1 =	sld [smem:$0x3FFE];
	_ =	sdelay $0x3  }
0x8a: {  	s0 =	sadd.s32 s1, s0  }
0x8b: {  	s3 =	simm.s32 $0x0;
	[smem:$0x3FC6] =	sst s0  }
0x8c: {  	[smem:$0xF] =	sst s3  }
0x8d: {  	s1 =	sld [smem:$0x3FC9]  }
0x8e: {  	s0 =	sld [smem:$0x3FC8]  }
0x8f: {  	s2 =	sld [smem:$0x3FD0];
	(tm) =	ssettm $0x1  }
0x90: {  	s17 =	sld [smem:$0x3FFB];
	_ =	sdelay $0x3  }
0x91: {  	_ =	strace s17  }
0x92: {  	s3 =	sld [smem:$0x3FFC];
	_ =	sdelay $0x3  }
0x93: {  	_ =	strace s3  }
0x94: {  	s3 =	sld [smem:$0x3FFD];
	_ =	sdelay $0x3  }
0x95: {  	_ =	strace s3  }
0x96: {  	s18 =	simm.s32 $0x1B8B;
	_ =	strace $0x8FFFFFFF  }
0x97: {  	_ =	swait.ge [sflag:s18], $0x1  }
0x98: {  	[sflag:s18] =	ssyncset.done $0x0  }
0x99: {  	s19 =	simm.s32 $0x1B8E;
	[sflag:s18] =	ssyncadd.s32 $0xFFFFFFFF  }
0x9a: {  	[smem:$0x3FD2] =	sst s19  }
0x9b: {  	s20 =	simm.s32 $0xA;
	s4 =	simm.s32 $0x10;
	_ =	strace $0x80000046  }
0x9c: {  	[smem:s4], [sflag:s20] =	dma.local [hbm:s0], $0x10  }
0x9d: {  	_ =	swait.ge [sflag:s20], $0x10  }
0x9e: {  	[sflag:s20] =	ssyncset.done $0x0  }
0x9f: {  	[sflag:s20] =	ssyncadd.s32 $0xFFFFFFF0  }
0xa0: {  	s21 =	sld [smem:$0x10];
	_ =	sdelay $0x3  }
0xa1: {  	s0 =	sadd.s32 $0xFFFFFFFF, s21  }
0xa2: {  	s22 =	sshll.u32 s0, $0xA;
	s0 =	sshll.u32 s0, $0x7  }
0xa3: {  	s3 =	sand.u32 $0xFFFFE000, s22;
	s0 =	sand.u32 $0x380, s0  }
0xa4: {  	s0 =	sor.u32 s0, s3  }
0xa5: {  	s4 =	simm.s32 $0x80;
	s0 =	sshrl.u32 s0, $0x3  }
0xa6: {  	s3 =	simm.s32 $0x1;
	s5 =	sadd.s32 s1, s0;
	s0 =	simm.s32 $0x9  }
0xa7: {  	[hbm:s2@s4], [sflag:s0] =	dma.strided [hbm:s5@s4], $0x80, s3, $0x10   }
0xa8: {  	s5 =	sld [smem:$0x11];
	_ =	sdelay $0x3  }
0xa9: {  	s5 =	sadd.s32 $0xFFF, s5  }
0xaa: {  	s6 =	sshll.u32 s5, $0xA;
	s5 =	sshll.u32 s5, $0x7  }
0xab: {  	s6 =	sand.u32 $0xFFFFE000, s6;
	s5 =	sand.u32 $0x380, s5  }
0xac: {  	s5 =	sor.u32 s5, s6  }
0xad: {  	s5 =	sshrl.u32 s5, $0x3  }
0xae: {  	s23 =	sadd.s32 $0x10, s2;
	s5 =	sadd.s32 s1, s5  }
0xaf: {  	[hbm:s23@s4], [sflag:s0] =	dma.strided [hbm:s5@s4], $0x80, s3, $0x10   }
0xb0: {  	s5 =	sld [smem:$0x12];
	_ =	sdelay $0x3  }
0xb1: {  	s5 =	sadd.s32 $0x1FFF, s5  }
0xb2: {  	s24 =	sshll.u32 s5, $0xA;
	s5 =	sshll.u32 s5, $0x7  }
0xb3: {  	s6 =	sand.u32 $0xFFFFE000, s24;
	s5 =	sand.u32 $0x380, s5  }
0xb4: {  	s5 =	sor.u32 s5, s6  }
0xb5: {  	s5 =	sshrl.u32 s5, $0x3  }
0xb6: {  	s25 =	sadd.s32 $0x20, s2;
	s5 =	sadd.s32 s1, s5  }
0xb7: {  	[hbm:s25@s4], [sflag:s0] =	dma.strided [hbm:s5@s4], $0x80, s3, $0x10   }
0xb8: {  	s5 =	sld [smem:$0x13];
	_ =	sdelay $0x3  }
0xb9: {  	s5 =	sadd.s32 $0x2FFF, s5  }
0xba: {  	s26 =	sshll.u32 s5, $0xA;
	s5 =	sshll.u32 s5, $0x7  }
0xbb: {  	s6 =	sand.u32 $0xFFFFE000, s26;
	s5 =	sand.u32 $0x380, s5  }
0xbc: {  	s5 =	sor.u32 s5, s6  }
0xbd: {  	s5 =	sshrl.u32 s5, $0x3  }
0xbe: {  	s28 =	sadd.s32 $0x30, s2;
	s5 =	sadd.s32 s1, s5  }
0xbf: {  	[hbm:s28@s4], [sflag:s0] =	dma.strided [hbm:s5@s4], $0x80, s3, $0x10   }
0xc0: {  	s5 =	sld [smem:$0x14];
	_ =	sdelay $0x3  }
0xc1: {  	s5 =	sadd.s32 $0x3FFF, s5  }
0xc2: {  	s29 =	sshll.u32 s5, $0xA;
	s5 =	sshll.u32 s5, $0x7  }
0xc3: {  	s6 =	sand.u32 $0xFFFFE000, s29;
	s5 =	sand.u32 $0x380, s5  }
0xc4: {  	s5 =	sor.u32 s5, s6  }
0xc5: {  	s5 =	sshrl.u32 s5, $0x3  }
0xc6: {  	s30 =	sadd.s32 $0x40, s2;
	s5 =	sadd.s32 s1, s5  }
0xc7: {  	[hbm:s30@s4], [sflag:s0] =	dma.strided [hbm:s5@s4], $0x80, s3, $0x10   }
0xc8: {  	s5 =	sld [smem:$0x15];
	_ =	sdelay $0x3  }
0xc9: {  	s5 =	sadd.s32 $0x4FFF, s5  }
0xca: {  	s31 =	sshll.u32 s5, $0xA;
	s5 =	sshll.u32 s5, $0x7  }
0xcb: {  	s6 =	sand.u32 $0xFFFFE000, s31;
	s5 =	sand.u32 $0x380, s5  }
0xcc: {  	s5 =	sor.u32 s5, s6  }
0xcd: {  	s5 =	sshrl.u32 s5, $0x3  }
0xce: {  	s7 =	sadd.s32 $0x50, s2;
	s5 =	sadd.s32 s1, s5  }
0xcf: {  	[hbm:s7@s4], [sflag:s0] =	dma.strided [hbm:s5@s4], $0x80, s3, $0x10   }
0xd0: {  	s5 =	sld [smem:$0x16];
	_ =	sdelay $0x3  }
0xd1: {  	s5 =	sadd.s32 $0x5FFF, s5  }
0xd2: {  	s8 =	sshll.u32 s5, $0xA;
	s5 =	sshll.u32 s5, $0x7  }
0xd3: {  	s6 =	sand.u32 $0xFFFFE000, s8;
	s5 =	sand.u32 $0x380, s5  }
0xd4: {  	s5 =	sor.u32 s5, s6  }
0xd5: {  	s5 =	sshrl.u32 s5, $0x3  }
0xd6: {  	s9 =	sadd.s32 $0x60, s2;
	s5 =	sadd.s32 s1, s5  }
0xd7: {  	[hbm:s9@s4], [sflag:s0] =	dma.strided [hbm:s5@s4], $0x80, s3, $0x10   }
0xd8: {  	s5 =	sld [smem:$0x17];
	_ =	sdelay $0x3  }
0xd9: {  	s5 =	sadd.s32 $0x6FFF, s5  }
0xda: {  	s10 =	sshll.u32 s5, $0xA;
	s5 =	sshll.u32 s5, $0x7  }
0xdb: {  	s6 =	sand.u32 $0xFFFFE000, s10;
	s5 =	sand.u32 $0x380, s5  }
0xdc: {  	s5 =	sor.u32 s5, s6  }
0xdd: {  	s5 =	sshrl.u32 s5, $0x3  }
0xde: {  	s11 =	sadd.s32 $0x70, s2;
	s5 =	sadd.s32 s1, s5  }
0xdf: {  	[hbm:s11@s4], [sflag:s0] =	dma.strided [hbm:s5@s4], $0x80, s3, $0x10   }
0xe0: {  	s5 =	sld [smem:$0x18];
	_ =	sdelay $0x3  }
0xe1: {  	s5 =	sadd.s32 $0x7FFF, s5  }
0xe2: {  	s12 =	sshll.u32 s5, $0xA;
	s5 =	sshll.u32 s5, $0x7  }
0xe3: {  	s6 =	sand.u32 $0xFFFFE000, s12;
	s5 =	sand.u32 $0x380, s5  }
0xe4: {  	s5 =	sor.u32 s5, s6  }
0xe5: {  	s5 =	sshrl.u32 s5, $0x3  }
0xe6: {  	s13 =	sadd.s32 $0x400, s2;
	s5 =	sadd.s32 s1, s5  }
0xe7: {  	[hbm:s13@s4], [sflag:s0] =	dma.strided [hbm:s5@s4], $0x80, s3, $0x10   }
0xe8: {  	s5 =	sld [smem:$0x19];
	_ =	sdelay $0x3  }
0xe9: {  	s5 =	sadd.s32 $0x8FFF, s5  }
0xea: {  	s14 =	sshll.u32 s5, $0xA;
	s5 =	sshll.u32 s5, $0x7  }
0xeb: {  	s6 =	sand.u32 $0xFFFFE000, s14;
	s5 =	sand.u32 $0x380, s5  }
0xec: {  	s5 =	sor.u32 s5, s6  }
0xed: {  	s5 =	sshrl.u32 s5, $0x3  }
0xee: {  	s15 =	sadd.s32 $0x410, s2;
	s5 =	sadd.s32 s1, s5  }
0xef: {  	[hbm:s15@s4], [sflag:s0] =	dma.strided [hbm:s5@s4], $0x80, s3, $0x10   }
0xf0: {  	s5 =	sld [smem:$0x1A];
	_ =	sdelay $0x3  }
0xf1: {  	s5 =	sadd.s32 $0x9FFF, s5  }
0xf2: {  	s16 =	sshll.u32 s5, $0xA;
	s5 =	sshll.u32 s5, $0x7  }
0xf3: {  	s6 =	sand.u32 $0xFFFFE000, s16;
	s5 =	sand.u32 $0x380, s5  }
0xf4: {  	s5 =	sor.u32 s5, s6  }
0xf5: {  	s5 =	sshrl.u32 s5, $0x3  }
0xf6: {  	s17 =	sadd.s32 $0x420, s2;
	s5 =	sadd.s32 s1, s5  }
0xf7: {  	[hbm:s17@s4], [sflag:s0] =	dma.strided [hbm:s5@s4], $0x80, s3, $0x10   }
0xf8: {  	s5 =	sld [smem:$0x1B];
	_ =	sdelay $0x3  }
0xf9: {  	s5 =	sadd.s32 $0xAFFF, s5  }
0xfa: {  	s18 =	sshll.u32 s5, $0xA;
	s5 =	sshll.u32 s5, $0x7  }
0xfb: {  	s6 =	sand.u32 $0xFFFFE000, s18;
	s5 =	sand.u32 $0x380, s5  }
0xfc: {  	s5 =	sor.u32 s5, s6  }
0xfd: {  	s5 =	sshrl.u32 s5, $0x3  }
0xfe: {  	s19 =	sadd.s32 $0x430, s2;
	s5 =	sadd.s32 s1, s5  }
0xff: {  	[hbm:s19@s4], [sflag:s0] =	dma.strided [hbm:s5@s4], $0x80, s3, $0x10   }
0x100: {  	s5 =	sld [smem:$0x1C];
	_ =	sdelay $0x3  }
0x101: {  	s5 =	sadd.s32 $0xBFFF, s5  }
0x102: {  	s20 =	sshll.u32 s5, $0xA;
	s5 =	sshll.u32 s5, $0x7  }
0x103: {  	s6 =	sand.u32 $0xFFFFE000, s20;
	s5 =	sand.u32 $0x380, s5  }
0x104: {  	s5 =	sor.u32 s5, s6  }
0x105: {  	s5 =	sshrl.u32 s5, $0x3  }
0x106: {  	s21 =	sadd.s32 $0x440, s2;
	s5 =	sadd.s32 s1, s5  }
0x107: {  	[hbm:s21@s4], [sflag:s0] =	dma.strided [hbm:s5@s4], $0x80, s3, $0x10   }
0x108: {  	s5 =	sld [smem:$0x1D];
	_ =	sdelay $0x3  }
0x109: {  	s5 =	sadd.s32 $0xCFFF, s5  }
0x10a: {  	s22 =	sshll.u32 s5, $0xA;
	s5 =	sshll.u32 s5, $0x7  }
0x10b: {  	s6 =	sand.u32 $0xFFFFE000, s22;
	s5 =	sand.u32 $0x380, s5  }
0x10c: {  	s5 =	sor.u32 s5, s6  }
0x10d: {  	s5 =	sshrl.u32 s5, $0x3  }
0x10e: {  	s23 =	sadd.s32 $0x450, s2;
	s5 =	sadd.s32 s1, s5  }
0x10f: {  	[hbm:s23@s4], [sflag:s0] =	dma.strided [hbm:s5@s4], $0x80, s3, $0x10   }
0x110: {  	s5 =	sld [smem:$0x1E];
	_ =	sdelay $0x3  }
0x111: {  	s5 =	sadd.s32 $0xDFFF, s5  }
0x112: {  	s24 =	sshll.u32 s5, $0xA;
	s5 =	sshll.u32 s5, $0x7  }
0x113: {  	s6 =	sand.u32 $0xFFFFE000, s24;
	s5 =	sand.u32 $0x380, s5  }
0x114: {  	s5 =	sor.u32 s5, s6  }
0x115: {  	s5 =	sshrl.u32 s5, $0x3  }
0x116: {  	s25 =	sadd.s32 $0x460, s2;
	s5 =	sadd.s32 s1, s5  }
0x117: {  	[hbm:s25@s4], [sflag:s0] =	dma.strided [hbm:s5@s4], $0x80, s3, $0x10   }
0x118: {  	s5 =	sld [smem:$0x1F];
	_ =	sdelay $0x3  }
0x119: {  	s5 =	sadd.s32 $0xEFFF, s5  }
0x11a: {  	s26 =	sshll.u32 s5, $0xA;
	s5 =	sshll.u32 s5, $0x7  }
0x11b: {  	s6 =	sand.u32 $0xFFFFE000, s26;
	s5 =	sand.u32 $0x380, s5  }
0x11c: {  	s5 =	sor.u32 s5, s6  }
0x11d: {  	s5 =	sshrl.u32 s5, $0x3  }
0x11e: {  	s2 =	sadd.s32 $0x470, s2;
	s1 =	sadd.s32 s1, s5  }
0x11f: {  	[hbm:s2@s4], [sflag:s0] =	dma.strided [hbm:s1@s4], $0x80, s3, $0x10   }
0x120: {  	_ =	swait.ge [sflag:s0], $0x80  }
0x121: {  	[sflag:s0] =	ssyncset.done $0x0  }
0x122: {  	[sflag:s0] =	ssyncadd.s32 $0xFFFFFF80;
	_ =	sdelay $0x2  }
0x123: {  	_ =	swait.ge [sflag:s0], $0x80  }
0x124: {  	[sflag:s0] =	ssyncset.done $0x0  }
0x125: {  	[sflag:s0] =	ssyncadd.s32 $0xFFFFFF80;
	_ =	sdelay $0x2  }
0x126: {  	_ =	swait.ge [sflag:s0], $0x80  }
0x127: {  	[sflag:s0] =	ssyncset.done $0x0  }
0x128: {  	[sflag:s0] =	ssyncadd.s32 $0xFFFFFF80;
	_ =	sdelay $0x2  }
0x129: {  	_ =	swait.ge [sflag:s0], $0x80  }
0x12a: {  	[sflag:s0] =	ssyncset.done $0x0  }
0x12b: {  	[sflag:s0] =	ssyncadd.s32 $0xFFFFFF80;
	_ =	sdelay $0x2  }
0x12c: {  	_ =	swait.ge [sflag:s0], $0x80  }
0x12d: {  	[sflag:s0] =	ssyncset.done $0x0  }
0x12e: {  	[sflag:s0] =	ssyncadd.s32 $0xFFFFFF80;
	_ =	sdelay $0x2  }
0x12f: {  	_ =	swait.ge [sflag:s0], $0x80  }
0x130: {  	[sflag:s0] =	ssyncset.done $0x0  }
0x131: {  	[sflag:s0] =	ssyncadd.s32 $0xFFFFFF80;
	_ =	sdelay $0x2  }
0x132: {  	_ =	swait.ge [sflag:s0], $0x80  }
0x133: {  	[sflag:s0] =	ssyncset.done $0x0  }
0x134: {  	[sflag:s0] =	ssyncadd.s32 $0xFFFFFF80;
	_ =	sdelay $0x2  }
0x135: {  	_ =	swait.ge [sflag:s0], $0x80  }
0x136: {  	[sflag:s0] =	ssyncset.done $0x0  }
0x137: {  	[sflag:s0] =	ssyncadd.s32 $0xFFFFFF80;
	_ =	sdelay $0x2  }
0x138: {  	_ =	swait.ge [sflag:s0], $0x80  }
0x139: {  	[sflag:s0] =	ssyncset.done $0x0  }
0x13a: {  	[sflag:s0] =	ssyncadd.s32 $0xFFFFFF80;
	_ =	sdelay $0x2  }
0x13b: {  	_ =	swait.ge [sflag:s0], $0x80  }
0x13c: {  	[sflag:s0] =	ssyncset.done $0x0  }
0x13d: {  	[sflag:s0] =	ssyncadd.s32 $0xFFFFFF80;
	_ =	sdelay $0x2  }
0x13e: {  	_ =	swait.ge [sflag:s0], $0x80  }
0x13f: {  	[sflag:s0] =	ssyncset.done $0x0  }
0x140: {  	[sflag:s0] =	ssyncadd.s32 $0xFFFFFF80;
	_ =	sdelay $0x2  }
0x141: {  	_ =	swait.ge [sflag:s0], $0x80  }
0x142: {  	[sflag:s0] =	ssyncset.done $0x0  }
0x143: {  	[sflag:s0] =	ssyncadd.s32 $0xFFFFFF80;
	_ =	sdelay $0x2  }
0x144: {  	_ =	swait.ge [sflag:s0], $0x80  }
0x145: {  	[sflag:s0] =	ssyncset.done $0x0  }
0x146: {  	[sflag:s0] =	ssyncadd.s32 $0xFFFFFF80;
	_ =	sdelay $0x2  }
0x147: {  	_ =	swait.ge [sflag:s0], $0x80  }
0x148: {  	[sflag:s0] =	ssyncset.done $0x0  }
0x149: {  	[sflag:s0] =	ssyncadd.s32 $0xFFFFFF80;
	_ =	sdelay $0x2  }
0x14a: {  	_ =	swait.ge [sflag:s0], $0x80  }
0x14b: {  	[sflag:s0] =	ssyncset.done $0x0  }
0x14c: {  	[sflag:s0] =	ssyncadd.s32 $0xFFFFFF80;
	_ =	sdelay $0x2  }
0x14d: {  	_ =	swait.ge [sflag:s0], $0x80  }
0x14e: {  	[sflag:s0] =	ssyncset.done $0x0  }
0x14f: {  	[sflag:s0] =	ssyncadd.s32 $0xFFFFFF80  }
0x150: {  	_ =	strace $0x90000046  }
0x151: {  	_ =	sfence  }
0x152: {  	s28 =	sld [smem:$0x0];
	_ =	sdelay $0x1  }
0x153: {  	s29 =	srdreg.scid  }
0x154: {  	s30 =	sshll.u32 s29, $0xD;
	s31 =	sshrl.u32 s29, $0x2  }
0x155: {  	s1 =	sand.u32 $0x1, s29;
	s2 =	sand.u32 $0x4000, s30;
	s0 =	sadd.s32 s31, s28  }
0x156: {  	s1 =	sor.u32 s2, s1;
	s0 =	sshll.u32 s0, $0x11  }
0x157: {  	s0 =	sor.u32 s0, s1  }
0x158: {  	s0 =	sadd.s32 $0x8F2B, s0;
	(pc) =	sbr.abs _section_cstart, $3  }
0x159: {  	[sflag:s0] =	ssyncadd.remote.s32 $0x1  }
0x15a: {  	_ =	strace $0x9FFFFFFF  }
0x15b: {  	(tm) =	ssettm $0x7FFFFFFF  }

</sc_bundles>
